<compile_context>
chip_gen: v7x
topology: tpu7x:2x2x1
jax: 0.10.2.dev20260603
libtpu: 0.0.44.dev20260713+nightly
codegen_flags: <defaults>
</compile_context>

<pallas_src>
import jax
import jax.numpy as jnp
from jax import lax
from jax.experimental import pallas as pl
from jax.experimental.pallas import tpu as pltpu
from jax.experimental.pallas import tpu_sc as plsc

N = 100000
NW = 32
CH = 3136
STEPS = CH // 16


def _sc_body(coords_hbm, table_hbm, bid_hbm, out_hbm,
             bid_v, table_v, cx, cy, cz, ox_v, oy_v, oz_v):
    c = lax.axis_index("c")
    s = lax.axis_index("s")
    wid = s * 2 + c
    base = jnp.minimum(wid * CH, N - CH)

    pltpu.sync_copy(table_hbm, table_v)
    pltpu.sync_copy(bid_hbm.at[pl.ds(base, CH)], bid_v)
    pltpu.sync_copy(coords_hbm.at[pl.ds(base, CH)], cx)
    pltpu.sync_copy(coords_hbm.at[pl.ds(N + base, CH)], cy)
    pltpu.sync_copy(coords_hbm.at[pl.ds(2 * N + base, CH)], cz)

    @plsc.parallel_loop(0, STEPS, unroll=4)
    def step(sidx):
        o = sidx * 16
        b16 = bid_v[pl.ds(o, 16)]
        rx = cx[pl.ds(o, 16)]
        ry = cy[pl.ds(o, 16)]
        rz = cz[pl.ds(o, 16)]
        m = [plsc.load_gather(table_v, [b16 + k * 256]) for k in range(9)]
        ox_v[pl.ds(o, 16)] = rx * m[0] + ry * m[3] + rz * m[6]
        oy_v[pl.ds(o, 16)] = rx * m[1] + ry * m[4] + rz * m[7]
        oz_v[pl.ds(o, 16)] = rx * m[2] + ry * m[5] + rz * m[8]

    pltpu.sync_copy(ox_v, out_hbm.at[pl.ds(base, CH)])
    pltpu.sync_copy(oy_v, out_hbm.at[pl.ds(N + base, CH)])
    pltpu.sync_copy(oz_v, out_hbm.at[pl.ds(2 * N + base, CH)])


def kernel(real_coordinates, inv_lattice_matrices, batch_id):
    coords_t = real_coordinates.T.reshape(-1)
    table_planes = jnp.transpose(inv_lattice_matrices, (1, 2, 0)).reshape(-1)
    bid = batch_id.astype(jnp.int32)
    mesh = plsc.VectorSubcoreMesh(core_axis_name="c", subcore_axis_name="s")
    out_t = pl.kernel(
        _sc_body,
        out_type=jax.ShapeDtypeStruct((3 * N,), jnp.float32),
        mesh=mesh,
        scratch_types=[
            pltpu.VMEM((CH,), jnp.int32),
            pltpu.VMEM((9 * 256,), jnp.float32),
            pltpu.VMEM((CH,), jnp.float32),
            pltpu.VMEM((CH,), jnp.float32),
            pltpu.VMEM((CH,), jnp.float32),
            pltpu.VMEM((CH,), jnp.float32),
            pltpu.VMEM((CH,), jnp.float32),
            pltpu.VMEM((CH,), jnp.float32),
        ],
        compiler_params=pltpu.CompilerParams(
            needs_layout_passes=False,
            disable_bounds_checks=True,
            disable_semaphore_checks=True,
            skip_device_barrier=True,
        ),
    )(coords_t, table_planes, bid)
    return out_t.reshape(3, N).T

# --- scband reference (transcript-rebuilt; emitter-appended) ---
"""Pipeline reference for scband-real-to-frac-coordinates-67559835566339 (READ-ONLY COPY).

The authoritative reference and input builder live on the scoring server;
editing this copy changes nothing except your own understanding.
"""

import jax, jax.numpy as jnp
import numpy as np

N = 100000
B = 256

def setup_inputs(seed: int = 0) -> dict:
    key = jax.random.key(seed)
    k1, k2, k3 = jax.random.split(key, 3)
    real_coordinates = jax.random.normal(k1, (N, 3), dtype=jnp.float32)
    inv_lattice_matrices = jax.random.normal(k2, (B, 3, 3), dtype=jnp.float32)
    batch_id = jnp.sort(jax.random.randint(k3, (N,), 0, B, dtype=jnp.int64))
    return {
        "real_coordinates": real_coordinates,
        "inv_lattice_matrices": inv_lattice_matrices,
        "batch_id": batch_id,
    }

def reference(real_coordinates, inv_lattice_matrices, batch_id):
    # GatherState: gather per-sample state (inverse lattice matrix) to each node via batch_id
    inv_lattice_matrices_ = jnp.take(inv_lattice_matrices, batch_id, axis=0)  # ([N], 3, 3)
    # frac = r @ A^{-1} per node
    real_to_frac_coords = jnp.einsum('ij,ijk->ik', real_coordinates, inv_lattice_matrices_)
    return real_to_frac_coords

if __name__ == "__main__":
    import jax
    _d = setup_inputs()
    print(jax.jit(kernel)(*tuple(_d.values())))

</pallas_src>

<mosaic_0001>
#map = affine_map<(d0, d1) -> (0)>
module attributes {stable_mosaic.version = 14 : i64} {
  func.func @_sc_body(%arg0: i32, %arg1: i32, %arg2: memref<300000xf32, #tpu.memory_space<hbm>>, %arg3: memref<2304xf32, #tpu.memory_space<hbm>>, %arg4: memref<100000xi32, #tpu.memory_space<hbm>>, %arg5: memref<300000xf32, #tpu.memory_space<hbm>>, %arg6: memref<3136xi32, #tpu.memory_space<vmem>>, %arg7: memref<2304xf32, #tpu.memory_space<vmem>>, %arg8: memref<3136xf32, #tpu.memory_space<vmem>>, %arg9: memref<3136xf32, #tpu.memory_space<vmem>>, %arg10: memref<3136xf32, #tpu.memory_space<vmem>>, %arg11: memref<3136xf32, #tpu.memory_space<vmem>>, %arg12: memref<3136xf32, #tpu.memory_space<vmem>>, %arg13: memref<3136xf32, #tpu.memory_space<vmem>>) attributes {dimension_semantics = [#tpu.dimension_semantics<core_parallel>, #tpu.dimension_semantics<subcore_parallel>], iteration_bounds = array<i64: 2, 16>, scalar_prefetch = 0 : i64, scratch_operands = 8 : i64, tpu.core_type = #tpu.core_type<sc_vector_subcore>, window_params = [{transform_indices = #map}, {transform_indices = #map}, {transform_indices = #map}, {transform_indices = #map}]} {
    %mul3A = arith.constant 2 : i32
    %mul3A_0 = arith.muli %arg1, %mul3A : i32
    %add3A = arith.addi %mul3A_0, %arg0 : i32
    %mul3A_1 = arith.constant 3136 : i32
    %mul3A_2 = arith.muli %add3A, %mul3A_1 : i32
    %min3A = arith.constant 96864 : i32
    %min3A_3 = arith.minsi %mul3A_2, %min3A : i32
    "tpu.region"() ({
      %run_scoped3A = tpu.sem_alloc : memref<!tpu.dma_semaphore, #tpu.memory_space<semaphore_mem>>
      tpu.enqueue_dma source(%arg3 : memref<2304xf32, #tpu.memory_space<hbm>>) target(%arg7 : memref<2304xf32, #tpu.memory_space<vmem>>) target_semaphore(%run_scoped3A : memref<!tpu.dma_semaphore, #tpu.memory_space<semaphore_mem>>)
      tpu.wait_dma2 semaphore(%run_scoped3A : memref<!tpu.dma_semaphore, #tpu.memory_space<semaphore_mem>>) src(%arg3 : memref<2304xf32, #tpu.memory_space<hbm>>) dst(%arg7 : memref<2304xf32, #tpu.memory_space<vmem>>)
      tpu.yield
    }) : () -> ()
    "tpu.region"() ({
      %run_scoped3A = tpu.sem_alloc : memref<!tpu.dma_semaphore, #tpu.memory_space<semaphore_mem>>
      %dma_start3A = tpu.memref_slice %arg4[%min3A_3] : memref<100000xi32, #tpu.memory_space<hbm>> -> memref<3136xi32, #tpu.memory_space<hbm>>
      %dma_start3A_14 = tpu.memref_slice %arg4[%min3A_3] : memref<100000xi32, #tpu.memory_space<hbm>> -> memref<3136xi32, #tpu.memory_space<hbm>>
      tpu.enqueue_dma source(%dma_start3A_14 : memref<3136xi32, #tpu.memory_space<hbm>>) target(%arg6 : memref<3136xi32, #tpu.memory_space<vmem>>) target_semaphore(%run_scoped3A : memref<!tpu.dma_semaphore, #tpu.memory_space<semaphore_mem>>)
      %dma_wait3A = tpu.memref_slice %arg4[%min3A_3] : memref<100000xi32, #tpu.memory_space<hbm>> -> memref<3136xi32, #tpu.memory_space<hbm>>
      %dma_wait3A_15 = tpu.memref_slice %arg4[%min3A_3] : memref<100000xi32, #tpu.memory_space<hbm>> -> memref<3136xi32, #tpu.memory_space<hbm>>
      tpu.wait_dma2 semaphore(%run_scoped3A : memref<!tpu.dma_semaphore, #tpu.memory_space<semaphore_mem>>) src(%dma_wait3A_15 : memref<3136xi32, #tpu.memory_space<hbm>>) dst(%arg6 : memref<3136xi32, #tpu.memory_space<vmem>>)
      tpu.yield
    }) : () -> ()
    "tpu.region"() ({
      %run_scoped3A = tpu.sem_alloc : memref<!tpu.dma_semaphore, #tpu.memory_space<semaphore_mem>>
      %dma_start3A = tpu.memref_slice %arg2[%min3A_3] : memref<300000xf32, #tpu.memory_space<hbm>> -> memref<3136xf32, #tpu.memory_space<hbm>>
      %dma_start3A_14 = tpu.memref_slice %arg2[%min3A_3] : memref<300000xf32, #tpu.memory_space<hbm>> -> memref<3136xf32, #tpu.memory_space<hbm>>
      tpu.enqueue_dma source(%dma_start3A_14 : memref<3136xf32, #tpu.memory_space<hbm>>) target(%arg8 : memref<3136xf32, #tpu.memory_space<vmem>>) target_semaphore(%run_scoped3A : memref<!tpu.dma_semaphore, #tpu.memory_space<semaphore_mem>>)
      %dma_wait3A = tpu.memref_slice %arg2[%min3A_3] : memref<300000xf32, #tpu.memory_space<hbm>> -> memref<3136xf32, #tpu.memory_space<hbm>>
      %dma_wait3A_15 = tpu.memref_slice %arg2[%min3A_3] : memref<300000xf32, #tpu.memory_space<hbm>> -> memref<3136xf32, #tpu.memory_space<hbm>>
      tpu.wait_dma2 semaphore(%run_scoped3A : memref<!tpu.dma_semaphore, #tpu.memory_space<semaphore_mem>>) src(%dma_wait3A_15 : memref<3136xf32, #tpu.memory_space<hbm>>) dst(%arg8 : memref<3136xf32, #tpu.memory_space<vmem>>)
      tpu.yield
    }) : () -> ()
    %add3A_4 = arith.constant 100000 : i32
    %add3A_5 = arith.addi %add3A_4, %min3A_3 : i32
    "tpu.region"() ({
      %run_scoped3A = tpu.sem_alloc : memref<!tpu.dma_semaphore, #tpu.memory_space<semaphore_mem>>
      %dma_start3A = tpu.memref_slice %arg2[%add3A_5] : memref<300000xf32, #tpu.memory_space<hbm>> -> memref<3136xf32, #tpu.memory_space<hbm>>
      %dma_start3A_14 = tpu.memref_slice %arg2[%add3A_5] : memref<300000xf32, #tpu.memory_space<hbm>> -> memref<3136xf32, #tpu.memory_space<hbm>>
      tpu.enqueue_dma source(%dma_start3A_14 : memref<3136xf32, #tpu.memory_space<hbm>>) target(%arg9 : memref<3136xf32, #tpu.memory_space<vmem>>) target_semaphore(%run_scoped3A : memref<!tpu.dma_semaphore, #tpu.memory_space<semaphore_mem>>)
      %dma_wait3A = tpu.memref_slice %arg2[%add3A_5] : memref<300000xf32, #tpu.memory_space<hbm>> -> memref<3136xf32, #tpu.memory_space<hbm>>
      %dma_wait3A_15 = tpu.memref_slice %arg2[%add3A_5] : memref<300000xf32, #tpu.memory_space<hbm>> -> memref<3136xf32, #tpu.memory_space<hbm>>
      tpu.wait_dma2 semaphore(%run_scoped3A : memref<!tpu.dma_semaphore, #tpu.memory_space<semaphore_mem>>) src(%dma_wait3A_15 : memref<3136xf32, #tpu.memory_space<hbm>>) dst(%arg9 : memref<3136xf32, #tpu.memory_space<vmem>>)
      tpu.yield
    }) : () -> ()
    %add3A_6 = arith.constant 200000 : i32
    %add3A_7 = arith.addi %add3A_6, %min3A_3 : i32
    "tpu.region"() ({
      %run_scoped3A = tpu.sem_alloc : memref<!tpu.dma_semaphore, #tpu.memory_space<semaphore_mem>>
      %dma_start3A = tpu.memref_slice %arg2[%add3A_7] : memref<300000xf32, #tpu.memory_space<hbm>> -> memref<3136xf32, #tpu.memory_space<hbm>>
      %dma_start3A_14 = tpu.memref_slice %arg2[%add3A_7] : memref<300000xf32, #tpu.memory_space<hbm>> -> memref<3136xf32, #tpu.memory_space<hbm>>
      tpu.enqueue_dma source(%dma_start3A_14 : memref<3136xf32, #tpu.memory_space<hbm>>) target(%arg10 : memref<3136xf32, #tpu.memory_space<vmem>>) target_semaphore(%run_scoped3A : memref<!tpu.dma_semaphore, #tpu.memory_space<semaphore_mem>>)
      %dma_wait3A = tpu.memref_slice %arg2[%add3A_7] : memref<300000xf32, #tpu.memory_space<hbm>> -> memref<3136xf32, #tpu.memory_space<hbm>>
      %dma_wait3A_15 = tpu.memref_slice %arg2[%add3A_7] : memref<300000xf32, #tpu.memory_space<hbm>> -> memref<3136xf32, #tpu.memory_space<hbm>>
      tpu.wait_dma2 semaphore(%run_scoped3A : memref<!tpu.dma_semaphore, #tpu.memory_space<semaphore_mem>>) src(%dma_wait3A_15 : memref<3136xf32, #tpu.memory_space<hbm>>) dst(%arg10 : memref<3136xf32, #tpu.memory_space<vmem>>)
      tpu.yield
    }) : () -> ()
    %parallel_loop3A = arith.constant 0 : i32
    %parallel_loop3A_8 = arith.constant 196 : i32
    %parallel_loop3A_9 = arith.constant 1 : i32
    scf.for %parallel_loop3A_14 = %parallel_loop3A to %parallel_loop3A_8 step %parallel_loop3A_9  : i32 {
      %parallel_loop3A_15 = arith.constant 16 : i32
      %parallel_loop3A_16 = arith.muli %parallel_loop3A_14, %parallel_loop3A_15 : i32
      %parallel_loop3A_17 = arith.index_cast %parallel_loop3A_16 : i32 to index
      %parallel_loop3A_18 = tpu.vector_load %arg6[%parallel_loop3A_17] {strides = array<i32>} : memref<3136xi32, #tpu.memory_space<vmem>>, vector<16xi32>,
      %parallel_loop3A_19 = arith.index_cast %parallel_loop3A_16 : i32 to index
      %parallel_loop3A_20 = tpu.vector_load %arg8[%parallel_loop3A_19] {strides = array<i32>} : memref<3136xf32, #tpu.memory_space<vmem>>, vector<16xf32>,
      %parallel_loop3A_21 = arith.index_cast %parallel_loop3A_16 : i32 to index
      %parallel_loop3A_22 = tpu.vector_load %arg9[%parallel_loop3A_21] {strides = array<i32>} : memref<3136xf32, #tpu.memory_space<vmem>>, vector<16xf32>,
      %parallel_loop3A_23 = arith.index_cast %parallel_loop3A_16 : i32 to index
      %parallel_loop3A_24 = tpu.vector_load %arg10[%parallel_loop3A_23] {strides = array<i32>} : memref<3136xf32, #tpu.memory_space<vmem>>, vector<16xf32>,
      %parallel_loop3A_25 = arith.constant 0 : i32
      %parallel_loop3A_26 = vector.broadcast %parallel_loop3A_25 : i32 to vector<16xi32>
      %parallel_loop3A_27 = arith.addi %parallel_loop3A_18, %parallel_loop3A_26 : vector<16xi32>
      %parallel_loop3A_28 = tpu.vector_load_idx %arg7[%parallel_loop3A_27] : memref<2304xf32, #tpu.memory_space<vmem>>[vector<16xi32>], vector<16xf32>,
      %parallel_loop3A_29 = arith.constant 256 : i32
      %parallel_loop3A_30 = vector.broadcast %parallel_loop3A_29 : i32 to vector<16xi32>
      %parallel_loop3A_31 = arith.addi %parallel_loop3A_18, %parallel_loop3A_30 : vector<16xi32>
      %parallel_loop3A_32 = tpu.vector_load_idx %arg7[%parallel_loop3A_31] : memref<2304xf32, #tpu.memory_space<vmem>>[vector<16xi32>], vector<16xf32>,
      %parallel_loop3A_33 = arith.constant 512 : i32
      %parallel_loop3A_34 = vector.broadcast %parallel_loop3A_33 : i32 to vector<16xi32>
      %parallel_loop3A_35 = arith.addi %parallel_loop3A_18, %parallel_loop3A_34 : vector<16xi32>
      %parallel_loop3A_36 = tpu.vector_load_idx %arg7[%parallel_loop3A_35] : memref<2304xf32, #tpu.memory_space<vmem>>[vector<16xi32>], vector<16xf32>,
      %parallel_loop3A_37 = arith.constant 768 : i32
      %parallel_loop3A_38 = vector.broadcast %parallel_loop3A_37 : i32 to vector<16xi32>
      %parallel_loop3A_39 = arith.addi %parallel_loop3A_18, %parallel_loop3A_38 : vector<16xi32>
      %parallel_loop3A_40 = tpu.vector_load_idx %arg7[%parallel_loop3A_39] : memref<2304xf32, #tpu.memory_space<vmem>>[vector<16xi32>], vector<16xf32>,
      %parallel_loop3A_41 = arith.constant 1024 : i32
      %parallel_loop3A_42 = vector.broadcast %parallel_loop3A_41 : i32 to vector<16xi32>
      %parallel_loop3A_43 = arith.addi %parallel_loop3A_18, %parallel_loop3A_42 : vector<16xi32>
      %parallel_loop3A_44 = tpu.vector_load_idx %arg7[%parallel_loop3A_43] : memref<2304xf32, #tpu.memory_space<vmem>>[vector<16xi32>], vector<16xf32>,
      %parallel_loop3A_45 = arith.constant 1280 : i32
      %parallel_loop3A_46 = vector.broadcast %parallel_loop3A_45 : i32 to vector<16xi32>
      %parallel_loop3A_47 = arith.addi %parallel_loop3A_18, %parallel_loop3A_46 : vector<16xi32>
      %parallel_loop3A_48 = tpu.vector_load_idx %arg7[%parallel_loop3A_47] : memref<2304xf32, #tpu.memory_space<vmem>>[vector<16xi32>], vector<16xf32>,
      %parallel_loop3A_49 = arith.constant 1536 : i32
      %parallel_loop3A_50 = vector.broadcast %parallel_loop3A_49 : i32 to vector<16xi32>
      %parallel_loop3A_51 = arith.addi %parallel_loop3A_18, %parallel_loop3A_50 : vector<16xi32>
      %parallel_loop3A_52 = tpu.vector_load_idx %arg7[%parallel_loop3A_51] : memref<2304xf32, #tpu.memory_space<vmem>>[vector<16xi32>], vector<16xf32>,
      %parallel_loop3A_53 = arith.constant 1792 : i32
      %parallel_loop3A_54 = vector.broadcast %parallel_loop3A_53 : i32 to vector<16xi32>
      %parallel_loop3A_55 = arith.addi %parallel_loop3A_18, %parallel_loop3A_54 : vector<16xi32>
      %parallel_loop3A_56 = tpu.vector_load_idx %arg7[%parallel_loop3A_55] : memref<2304xf32, #tpu.memory_space<vmem>>[vector<16xi32>], vector<16xf32>,
      %parallel_loop3A_57 = arith.constant 2048 : i32
      %parallel_loop3A_58 = vector.broadcast %parallel_loop3A_57 : i32 to vector<16xi32>
      %parallel_loop3A_59 = arith.addi %parallel_loop3A_18, %parallel_loop3A_58 : vector<16xi32>
      %parallel_loop3A_60 = tpu.vector_load_idx %arg7[%parallel_loop3A_59] : memref<2304xf32, #tpu.memory_space<vmem>>[vector<16xi32>], vector<16xf32>,
      %parallel_loop3A_61 = arith.mulf %parallel_loop3A_20, %parallel_loop3A_28 : vector<16xf32>
      %parallel_loop3A_62 = arith.mulf %parallel_loop3A_22, %parallel_loop3A_40 : vector<16xf32>
      %parallel_loop3A_63 = arith.addf %parallel_loop3A_61, %parallel_loop3A_62 : vector<16xf32>
      %parallel_loop3A_64 = arith.mulf %parallel_loop3A_24, %parallel_loop3A_52 : vector<16xf32>
      %parallel_loop3A_65 = arith.addf %parallel_loop3A_63, %parallel_loop3A_64 : vector<16xf32>
      %parallel_loop3A_66 = arith.index_cast %parallel_loop3A_16 : i32 to index
      %parallel_loop3A_67 = tpu.vector_load %arg11[%parallel_loop3A_66] {strides = array<i32>} : memref<3136xf32, #tpu.memory_space<vmem>>, vector<16xf32>,
      tpu.vector_store %arg11[%parallel_loop3A_66], %parallel_loop3A_65 {strides = array<i32>} : memref<3136xf32, #tpu.memory_space<vmem>>, vector<16xf32>,
      %parallel_loop3A_68 = arith.mulf %parallel_loop3A_20, %parallel_loop3A_32 : vector<16xf32>
      %parallel_loop3A_69 = arith.mulf %parallel_loop3A_22, %parallel_loop3A_44 : vector<16xf32>
      %parallel_loop3A_70 = arith.addf %parallel_loop3A_68, %parallel_loop3A_69 : vector<16xf32>
      %parallel_loop3A_71 = arith.mulf %parallel_loop3A_24, %parallel_loop3A_56 : vector<16xf32>
      %parallel_loop3A_72 = arith.addf %parallel_loop3A_70, %parallel_loop3A_71 : vector<16xf32>
      %parallel_loop3A_73 = arith.index_cast %parallel_loop3A_16 : i32 to index
      %parallel_loop3A_74 = tpu.vector_load %arg12[%parallel_loop3A_73] {strides = array<i32>} : memref<3136xf32, #tpu.memory_space<vmem>>, vector<16xf32>,
      tpu.vector_store %arg12[%parallel_loop3A_73], %parallel_loop3A_72 {strides = array<i32>} : memref<3136xf32, #tpu.memory_space<vmem>>, vector<16xf32>,
      %parallel_loop3A_75 = arith.mulf %parallel_loop3A_20, %parallel_loop3A_36 : vector<16xf32>
      %parallel_loop3A_76 = arith.mulf %parallel_loop3A_22, %parallel_loop3A_48 : vector<16xf32>
      %parallel_loop3A_77 = arith.addf %parallel_loop3A_75, %parallel_loop3A_76 : vector<16xf32>
      %parallel_loop3A_78 = arith.mulf %parallel_loop3A_24, %parallel_loop3A_60 : vector<16xf32>
      %parallel_loop3A_79 = arith.addf %parallel_loop3A_77, %parallel_loop3A_78 : vector<16xf32>
      %parallel_loop3A_80 = arith.index_cast %parallel_loop3A_16 : i32 to index
      %parallel_loop3A_81 = tpu.vector_load %arg13[%parallel_loop3A_80] {strides = array<i32>} : memref<3136xf32, #tpu.memory_space<vmem>>, vector<16xf32>,
      tpu.vector_store %arg13[%parallel_loop3A_80], %parallel_loop3A_79 {strides = array<i32>} : memref<3136xf32, #tpu.memory_space<vmem>>, vector<16xf32>,
    } {sc.loop_unroll_factor = 4 : i64, sc.parallel_access}
    "tpu.region"() ({
      %run_scoped3A = tpu.sem_alloc : memref<!tpu.dma_semaphore, #tpu.memory_space<semaphore_mem>>
      %dma_start3A = tpu.memref_slice %arg5[%min3A_3] : memref<300000xf32, #tpu.memory_space<hbm>> -> memref<3136xf32, #tpu.memory_space<hbm>>
      %dma_start3A_14 = tpu.memref_slice %arg5[%min3A_3] : memref<300000xf32, #tpu.memory_space<hbm>> -> memref<3136xf32, #tpu.memory_space<hbm>>
      tpu.enqueue_dma source(%arg11 : memref<3136xf32, #tpu.memory_space<vmem>>) target(%dma_start3A_14 : memref<3136xf32, #tpu.memory_space<hbm>>) target_semaphore(%run_scoped3A : memref<!tpu.dma_semaphore, #tpu.memory_space<semaphore_mem>>)
      %dma_wait3A = tpu.memref_slice %arg5[%min3A_3] : memref<300000xf32, #tpu.memory_space<hbm>> -> memref<3136xf32, #tpu.memory_space<hbm>>
      %dma_wait3A_15 = tpu.memref_slice %arg5[%min3A_3] : memref<300000xf32, #tpu.memory_space<hbm>> -> memref<3136xf32, #tpu.memory_space<hbm>>
      tpu.wait_dma2 semaphore(%run_scoped3A : memref<!tpu.dma_semaphore, #tpu.memory_space<semaphore_mem>>) src(%arg11 : memref<3136xf32, #tpu.memory_space<vmem>>) dst(%dma_wait3A_15 : memref<3136xf32, #tpu.memory_space<hbm>>)
      tpu.yield
    }) : () -> ()
    %add3A_10 = arith.constant 100000 : i32
    %add3A_11 = arith.addi %add3A_10, %min3A_3 : i32
    "tpu.region"() ({
      %run_scoped3A = tpu.sem_alloc : memref<!tpu.dma_semaphore, #tpu.memory_space<semaphore_mem>>
      %dma_start3A = tpu.memref_slice %arg5[%add3A_11] : memref<300000xf32, #tpu.memory_space<hbm>> -> memref<3136xf32, #tpu.memory_space<hbm>>
      %dma_start3A_14 = tpu.memref_slice %arg5[%add3A_11] : memref<300000xf32, #tpu.memory_space<hbm>> -> memref<3136xf32, #tpu.memory_space<hbm>>
      tpu.enqueue_dma source(%arg12 : memref<3136xf32, #tpu.memory_space<vmem>>) target(%dma_start3A_14 : memref<3136xf32, #tpu.memory_space<hbm>>) target_semaphore(%run_scoped3A : memref<!tpu.dma_semaphore, #tpu.memory_space<semaphore_mem>>)
      %dma_wait3A = tpu.memref_slice %arg5[%add3A_11] : memref<300000xf32, #tpu.memory_space<hbm>> -> memref<3136xf32, #tpu.memory_space<hbm>>
      %dma_wait3A_15 = tpu.memref_slice %arg5[%add3A_11] : memref<300000xf32, #tpu.memory_space<hbm>> -> memref<3136xf32, #tpu.memory_space<hbm>>
      tpu.wait_dma2 semaphore(%run_scoped3A : memref<!tpu.dma_semaphore, #tpu.memory_space<semaphore_mem>>) src(%arg12 : memref<3136xf32, #tpu.memory_space<vmem>>) dst(%dma_wait3A_15 : memref<3136xf32, #tpu.memory_space<hbm>>)
      tpu.yield
    }) : () -> ()
    %add3A_12 = arith.constant 200000 : i32
    %add3A_13 = arith.addi %add3A_12, %min3A_3 : i32
    "tpu.region"() ({
      %run_scoped3A = tpu.sem_alloc : memref<!tpu.dma_semaphore, #tpu.memory_space<semaphore_mem>>
      %dma_start3A = tpu.memref_slice %arg5[%add3A_13] : memref<300000xf32, #tpu.memory_space<hbm>> -> memref<3136xf32, #tpu.memory_space<hbm>>
      %dma_start3A_14 = tpu.memref_slice %arg5[%add3A_13] : memref<300000xf32, #tpu.memory_space<hbm>> -> memref<3136xf32, #tpu.memory_space<hbm>>
      tpu.enqueue_dma source(%arg13 : memref<3136xf32, #tpu.memory_space<vmem>>) target(%dma_start3A_14 : memref<3136xf32, #tpu.memory_space<hbm>>) target_semaphore(%run_scoped3A : memref<!tpu.dma_semaphore, #tpu.memory_space<semaphore_mem>>)
      %dma_wait3A = tpu.memref_slice %arg5[%add3A_13] : memref<300000xf32, #tpu.memory_space<hbm>> -> memref<3136xf32, #tpu.memory_space<hbm>>
      %dma_wait3A_15 = tpu.memref_slice %arg5[%add3A_13] : memref<300000xf32, #tpu.memory_space<hbm>> -> memref<3136xf32, #tpu.memory_space<hbm>>
      tpu.wait_dma2 semaphore(%run_scoped3A : memref<!tpu.dma_semaphore, #tpu.memory_space<semaphore_mem>>) src(%arg13 : memref<3136xf32, #tpu.memory_space<vmem>>) dst(%dma_wait3A_15 : memref<3136xf32, #tpu.memory_space<hbm>>)
      tpu.yield
    }) : () -> ()
    return
  }
}

</mosaic_0001>

<sc_bundles>
// kernel: kernel.3.cloned.1.call-start
scs
__scs_entry_jumppad:
0x0: {  	(pc) =	sbr.rel $0x88, $3  }
0x1: {  	(tag) =	ssettag $0x0;
	lr =	simm.s32 $0x1  }
0x2: {  	[smem:$0x3F9E] =	sst lr;
	_ =	strace $0xD0000000  }
0x3: {  	_ = 	snop  }
0x4: {  	_ = 	snop  }
0x5: {  	_ = 	snop  }
0x6: {  	_ = 	snop  }
0x7: {  	_ = 	snop  }
__scs_overlays_trampoline_lowered:
0x8: {  	[smem:$0x3FAD] =	sst s0  }
0x9: {  	[smem:$0x3FAE] =	sst s1  }
0xa: {  	[smem:$0x3FAF] =	sst s2  }
0xb: {  	[smem:$0x3FB0] =	sst s3  }
0xc: {  	[smem:$0x3FB1] =	sst s4  }
0xd: {  	[smem:$0x3FB2] =	sst s5  }
0xe: {  	[smem:$0x3FB3] =	sst s6  }
0xf: {  	[smem:$0x3FB4] =	sst s7  }
0x10: {  	[smem:$0x3FB5] =	sst s8  }
0x11: {  	[smem:$0x3FB6] =	sst s9;
	s0 =	simm.s32 @!p0 $0x0  }
0x12: {  	s1 =	sld [smem:$0x3F9C];
	s0 =	simm.s32 @p0 $0x1  }
0x13: {  	[smem:$0x3FB7] =	sst s0;
	s0 =	simm.s32 @!p1 $0x0  }
0x14: {  	s2 =	sld [smem:$0x3F9B];
	s0 =	simm.s32 @p1 $0x1  }
0x15: {  	[smem:$0x3FB8] =	sst s0;
	s0 =	simm.s32 @!p2 $0x0  }
0x16: {  	s3 =	sld [smem:$0x3FDB];
	s0 =	simm.s32 @p2 $0x1  }
0x17: {  	s4 =	simm.s32 $0x1BF5;
	[smem:$0x3FBA] =	sst s0  }
0x18: {  	s0 =	sld [smem:$0x3F9D];
	_ =	swait.ge [sflag:s4], $0x0  }
0x19: {  	s7 =	sld [smem:$0x3F9E]  }
0x1a: {  	s8 =	sadd.s32 $0xFFFFE003, lr  }
0x1b: {  	s9 =	sadd.s32 $0xFFFFFEF7, lr;
	s5 =	simm.s32 $0xFFFFFFFF;
	p2 =	slt.u32 s8, $0xFFFFF086  }
0x1c: {  	p1 =	slt.u32 s9, $0xF7A;
	s5 =	simm.s32 @!p2 $0x0  }
0x1d: {  	s5 =	simm.s32 @p1 $0x1;
	p0 =	seq.s32 s7, s2  }
0x1e: {  	s7 =	smul.u32 @!p0 $0xF7A, s2;
	p2 =	seq.s32 @!p0 s5, $0x0  }
0x1f: {  	s9 =	smul.u32 $0xF7A, s1;
	s8 =	simm.s32 @!p0 $0x1BF5;
	p2 =	por !p2, p0  }
0x20: {  	[sflag:s8] =	ssyncset.s32 @!p0 $0xFFFFF086;
	s6 =	sadd.s32 @!p0 s3, s7;
	s7 =	simm.s32 @!p0 $0x108  }
0x21: {  	s3 =	sadd.s32 s3, s9;
	s6 =	sadd.s32 @!p0 $0x88, s6;
	s7 =	simm.s32 @p2 $0x1082  }
0x22: {  	[simem:s7], [sflag:s8] =	dma.local @!p0 [hbm:s6], $0xF7A  }
0x23: {  	s9 =	sor.u32 $0xD0000000, s2;
	s6 =	simm.s32 $0x108;
	_ =	swait.ge @!p0 [sflag:s8], $0x0  }
0x24: {  	s3 =	sadd.s32 $0x88, s3;
	s6 =	simm.s32 @!p1 $0x1082;
	[sflag:s4] =	ssyncset.s32 $0xFFFFF086  }
0x25: {  	[simem:s6], [sflag:s4] =	dma.local [hbm:s3], $0xF7A  }
0x26: {  	[smem:$0x3F9E] =	sst s1;
	(tag) =	ssettag s2;
	_ =	strace s9  }
0x27: {  	s1 =	sld [smem:$0x3FAE]  }
0x28: {  	s2 =	sld [smem:$0x3FAF]  }
0x29: {  	s4 =	sld [smem:$0x3FB1]  }
0x2a: {  	p0 =	seq.s32 s5, $0x0;
	s5 =	sld [smem:$0x3FB2]  }
0x2b: {  	s6 =	sld [smem:$0x3FB3]  }
0x2c: {  	s7 =	sld [smem:$0x3FB4]  }
0x2d: {  	s3 =	simm.s32 $0x108;
	s8 =	sld [smem:$0x3FB5]  }
0x2e: {  	s3 =	simm.s32 @!p0 $0x1082;
	s9 =	sld [smem:$0x3FB6]  }
0x2f: {  	lr =	sadd.s32 s0, s3;
	s0 =	sld [smem:$0x3FAD]  }
0x30: {  	s3 =	sld [smem:$0x3FB0]  }
0x31: {  	[smem:$0x3FB9] =	sst s10  }
0x32: {  	s10 =	sld [smem:$0x3FB7];
	_ =	sdelay $0x3  }
0x33: {  	p0 =	seq.s32 s10, $0x1;
	s10 =	sld [smem:$0x3FB9];
	_ =	sdelay $0x3  }
0x34: {  	[smem:$0x3FB9] =	sst s10  }
0x35: {  	s10 =	sld [smem:$0x3FB8];
	_ =	sdelay $0x3  }
0x36: {  	p1 =	seq.s32 s10, $0x1;
	s10 =	sld [smem:$0x3FB9];
	_ =	sdelay $0x3  }
0x37: {  	[smem:$0x3FB9] =	sst s10  }
0x38: {  	s10 =	sld [smem:$0x3FBA]  }
0x39: {  	_ = 	snop;
	(pc) =	sbr.ind lr, $3  }
0x3a: {  	_ = 	snop  }
0x3b: {  	_ = 	snop  }
0x3c: {  	p2 =	seq.s32 s10, $0x1;
	s10 =	sld [smem:$0x3FB9]  }
0x3d: {  	_ =	shalt  }
0x3e: {  	_ =	shalt  }
0x3f: {  	_ =	shalt  }
0x40: {  	_ =	shalt  }
0x41: {  	_ =	shalt  }
0x42: {  	_ =	shalt  }
0x43: {  	_ =	shalt  }
0x44: {  	_ =	shalt  }
0x45: {  	_ =	shalt  }
0x46: {  	_ =	shalt  }
0x47: {  	_ =	shalt  }
0x48: {  	_ =	shalt  }
0x49: {  	_ =	shalt  }
0x4a: {  	_ =	shalt  }
0x4b: {  	_ =	shalt  }
0x4c: {  	_ =	shalt  }
0x4d: {  	_ =	shalt  }
0x4e: {  	_ =	shalt  }
0x4f: {  	_ =	shalt  }
0x50: {  	_ =	shalt  }
0x51: {  	_ =	shalt  }
0x52: {  	_ =	shalt  }
0x53: {  	_ =	shalt  }
0x54: {  	_ =	shalt  }
0x55: {  	_ =	shalt  }
0x56: {  	_ =	shalt  }
0x57: {  	_ =	shalt  }
0x58: {  	_ =	shalt  }
0x59: {  	_ =	shalt  }
0x5a: {  	_ =	shalt  }
0x5b: {  	_ =	shalt  }
0x5c: {  	_ =	shalt  }
0x5d: {  	_ =	shalt  }
0x5e: {  	_ =	shalt  }
0x5f: {  	_ =	shalt  }
0x60: {  	_ =	shalt  }
0x61: {  	_ =	shalt  }
0x62: {  	_ =	shalt  }
0x63: {  	_ =	shalt  }
0x64: {  	_ =	shalt  }
0x65: {  	_ =	shalt  }
0x66: {  	_ =	shalt  }
0x67: {  	_ =	shalt  }
0x68: {  	_ =	shalt  }
0x69: {  	_ =	shalt  }
0x6a: {  	_ =	shalt  }
0x6b: {  	_ =	shalt  }
0x6c: {  	_ =	shalt  }
0x6d: {  	_ =	shalt  }
0x6e: {  	_ =	shalt  }
0x6f: {  	_ =	shalt  }
0x70: {  	_ =	shalt  }
0x71: {  	_ =	shalt  }
0x72: {  	_ =	shalt  }
0x73: {  	_ =	shalt  }
0x74: {  	_ =	shalt  }
0x75: {  	_ =	shalt  }
0x76: {  	_ =	shalt  }
0x77: {  	_ =	shalt  }
0x78: {  	_ =	shalt  }
0x79: {  	_ =	shalt  }
0x7a: {  	_ =	shalt  }
0x7b: {  	_ =	shalt  }
0x7c: {  	_ =	shalt  }
0x7d: {  	_ =	shalt  }
0x7e: {  	_ =	shalt  }
0x7f: {  	_ =	shalt  }
0x80: {  	_ =	shalt  }
0x81: {  	_ =	shalt  }
0x82: {  	_ =	shalt  }
0x83: {  	_ =	shalt  }
0x84: {  	_ =	shalt  }
0x85: {  	_ =	shalt  }
0x86: {  	_ =	shalt  }
0x87: {  	_ =	shalt  }
.Lfunc_end0:
.L_simem_size_0:
called_computation_lowered:
.L_overlay_start_0:
0x88: {  	s2 =	sld [smem:$0x3FD9]  }
0x89: {  	s3 =	sld [smem:$0x3FFE];
	_ =	sdelay $0x1  }
0x8a: {  	s1 =	srdreg.scid  }
0x8b: {  	s0 =	sand.u32 $0x1, s1  }
0x8c: {  	s17 =	sshll.u32 s0, $0xA;
	s2 =	sadd.s32 s3, s2  }
0x8d: {  	s2 =	sadd.s32 s2, s17  }
0x8e: {  	[smem:$0x3FC5] =	sst s2  }
0x8f: {  	_ = 	snop  }
0x90: {  	s2 =	sld [smem:$0x3FC7]  }
0x91: {  	s18 =	sld [smem:$0x3FD0];
	(tm) =	ssettm $0x1  }
0x92: {  	s4 =	sld [smem:$0x3FFB];
	_ =	sdelay $0x3  }
0x93: {  	_ =	strace s4  }
0x94: {  	s4 =	sld [smem:$0x3FFC];
	_ =	sdelay $0x3  }
0x95: {  	_ =	strace s4  }
0x96: {  	s4 =	sld [smem:$0x3FFD];
	_ =	sdelay $0x3  }
0x97: {  	_ =	strace s4  }
0x98: {  	_ =	strace $0x8FFFFFFF  }
0x99: {  	s19 =	sld [smem:$0x3FDB];
	_ =	sdelay $0x1  }
0x9a: {  	s5 =	simm.s32 $_scs_section_size  }
0x9b: {  	s6 =	simm.s32 $_size__tile_overlayer_lowered;
	s7 =	simm.s32 $_tile_overlayer_lowered  }
0x9c: {  	s22 =	simm.s32 $0x1BFF;
	s21 =	sshll.u32 s7, $0x1;
	s4 =	sadd.s32 s5, s19  }
0x9d: {  	s8 =	simm.s32 $0x0;
	s20 =	sshll.u32 s6, $0x1;
	s6 =	sadd.s32 s21, s4  }
0x9e: {  	[timem:s8], [sflag:s22] =	dma.local [hbm:s6], s20  }
0x9f: {  	_ =	swait.ge [sflag:s22], s20  }
0xa0: {  	s5 =	ssub.s32 $0x0, s20;
	[sflag:s22] =	ssyncset.done $0x0  }
0xa1: {  	[sflag:s22] =	ssyncadd.s32 s5;
	_ =	sdelay $0x1  }
0xa2: {  	s23 =	simm.s32 $0x1B8B  }
0xa3: {  	_ =	swait.ge [sflag:s23], $0x1  }
0xa4: {  	[sflag:s23] =	ssyncset.done $0x0  }
0xa5: {  	s25 =	simm.s32 $0x1B8E;
	s24 =	sld [smem:$0x3FFE];
	[sflag:s23] =	ssyncadd.s32 $0xFFFFFFFF  }
0xa6: {  	s26 =	simm.s32 $execute0_lowered;
	[smem:$0x3FD2] =	sst s25  }
0xa7: {  	s6 =	sshll.u32 s26, $0x1;
	_ =	strace $0x80000046;
	[dreg:$0x1] =	wrdreg $0xFFFFFFFF  }
0xa8: {  	s28 =	simm.s32 $_size_execute0_lowered;
	s4 =	sadd.s32 s4, s6;
	[dreg:$0x0] =	wrdreg $0x0  }
0xa9: {  	s6 =	sshll.u32 s28, $0x1;
	[dreg:$0x2] =	wrdreg s4  }
0xaa: {  	[dreg:$0x3] =	wrdreg s6  }
0xab: {  	[dreg:$0x4] =	wrdreg $0xC0  }
0xac: {  	_ =	task [dreg:s8], $0x5FFFF  }
0xad: {  	[dreg:$0x1] =	wrdreg $0xFFFFFFFF  }
0xae: {  	[dreg:$0x0] =	wrdreg $0x60  }
0xaf: {  	[dreg:$0x2] =	wrdreg s18  }
0xb0: {  	[dreg:$0x3] =	wrdreg s24  }
0xb1: {  	[dreg:$0x4] =	wrdreg s2  }
0xb2: {  	[dreg:$0x5] =	wrdreg $0x9  }
0xb3: {  	_ =	task.clear_ibuf [dreg:s8], $0x6FFFF;
	_ =	strace $0x90000046  }
0xb4: {  	s29 =	simm.s32 $0x9;
	_ =	strace $0x80000048  }
0xb5: {  	_ =	swait.ge [sflag:s29], $0x1  }
0xb6: {  	[sflag:s29] =	ssyncadd.s32 $0xFFFFFFFF  }
0xb7: {  	_ =	strace $0x90000048  }
0xb8: {  	_ =	sfence  }
0xb9: {  	s30 =	sld [smem:$0x0];
	_ =	sdelay $0x2  }
0xba: {  	s31 =	sshll.u32 s1, $0xD;
	s1 =	sshrl.u32 s1, $0x2  }
0xbb: {  	s3 =	sand.u32 $0x4000, s31;
	s1 =	sadd.s32 s1, s30  }
0xbc: {  	s0 =	sor.u32 s3, s0;
	s1 =	sshll.u32 s1, $0x11  }
0xbd: {  	s0 =	sor.u32 s1, s0  }
0xbe: {  	s0 =	sadd.s32 $0x8F2B, s0  }
0xbf: {  	[sflag:s0] =	ssyncadd.remote.s32 $0x1  }
0xc0: {  	_ =	sfence.sel $0xFFFF  }
0xc1: {  	[dreg:$0x0] =	wrdreg $0xFFFFFFFF;
	(pc) =	sbr.abs _section_cstart, $3  }
0xc2: {  	[dreg:$0x1] =	wrdreg $0xFFFFFFFF  }
0xc3: {  	_ =	task.clear_ibuf [dreg:s8], $0x2FFFF;
	_ =	strace $0x9FFFFFFF  }
0xc4: {  	(tm) =	ssettm $0x7FFFFFFF  }
0xc5: {  	_ =	shalt  }
tec
execute0_lowered:
.L_overlay_start_1:
0x0: {  	(tag) =	ssettag $0x1  }
0x1: {  	s1 =	rddreg [dreg:$0x0]  }
0x2: {  	s2 =	srdreg.scid;
	s4 =	rddreg [dreg:$0x1]  }
0x3: {  	s0 =	stileid.u32;
	s5 =	rddreg [dreg:$0x2]  }
0x4: {  	s14 =	simm.s32 $0x1580;
	s15 =	simm.s32 $0x2200;
	s16 =	simm.s32 $0x2E80  }
0x5: {  	s17 =	simm.s32 $0x3B00;
	s3 =	sand.u32 $0x1, s2;
	s31 =	sshll.u32 s0, $0x1  }
0x6: {  	s18 =	simm.s32 $0x4780;
	s19 =	simm.s32 $0x5400;
	s6 =	sor.u32 s3, s31  }
0x7: {  	s20 =	simm.s32 $0x0;
	s2 =	simm.s32 $0x0;
	s6 =	smul.u32 $0xC40, s6  }
0x8: {  	s10 =	sadd.s32 $0x600, s4;
	[smem:$0x7FF] =	sst s2;
	s7 =	ssub.s32 $0x2, s3  }
0x9: {  	s3 =	sadd.s32 $0x400, s4;
	s8 =	sshrl.u32 s7, $0x1;
	s6 =	smin.u32 s6, $0x17A60  }
0xa: {  	_ =	strace $0x80000047;
	s11 =	ssub.s32 s7, s8;
	s9 =	sshrl.u32 s6, $0x3  }
0xb: {  	s11 =	smax.u32 s11, $0x1;
	s4 =	sadd.s32 s5, s9;
	s5 =	sadd.s32 s1, s9  }
0xc: {  	s12 =	sadd.s32 $0x30D4, s9;
	s13 =	sadd.s32 $0x61A8, s9;
	s8 =	sadd.s32 s10, s9  }
0xd: {  	s6 =	sadd.s32 s1, s12;
	s7 =	sadd.s32 s1, s13;
	s9 =	sadd.s32 s10, s12  }
0xe: {  	s10 =	sadd.s32 s10, s13;
	s12 =	simm.s32 $0xC80;
	s13 =	simm.s32 $0x1  }
.LBB2_1:
0xf: {  	[tilespmem:s12], [sflag:$0x1] =	stream.linear.gather [hbm4b:s3+s2], $0x900, $0x38;
	[tilespmem:$0x6080] =	vst v63  }
0x10: {  	_ =	swait.ge [sflag:s13], $0x900  }
0x11: {  	[sflag:s13] =	ssyncset.done $0x0  }
0x12: {  	[sflag:s13] =	ssyncadd.s32 $0xFFFFF700  }
0x13: {  	[tilespmem:s2], [sflag:$0x1] =	stream.linear.gather [hbm4b:s4+s2], $0xC40, $0x38;
	[tilespmem:$0x6080] =	vst v63  }
0x14: {  	_ =	swait.ge [sflag:s13], $0xC40  }
0x15: {  	[sflag:s13] =	ssyncset.done $0x0  }
0x16: {  	[sflag:s13] =	ssyncadd.s32 $0xFFFFF3C0  }
0x17: {  	[tilespmem:s14], [sflag:$0x1] =	stream.linear.gather [hbm4b:s5+s2], $0xC40, $0x38;
	[tilespmem:$0x6080] =	vst v63  }
0x18: {  	_ =	swait.ge [sflag:s13], $0xC40  }
0x19: {  	[sflag:s13] =	ssyncset.done $0x0  }
0x1a: {  	[sflag:s13] =	ssyncadd.s32 $0xFFFFF3C0  }
0x1b: {  	[tilespmem:s15], [sflag:$0x1] =	stream.linear.gather [hbm4b:s6+s2], $0xC40, $0x38;
	[tilespmem:$0x6080] =	vst v63  }
0x1c: {  	_ =	swait.ge [sflag:s13], $0xC40  }
0x1d: {  	[sflag:s13] =	ssyncset.done $0x0  }
0x1e: {  	[sflag:s13] =	ssyncadd.s32 $0xFFFFF3C0  }
0x1f: {  	[tilespmem:s16], [sflag:$0x1] =	stream.linear.gather [hbm4b:s7+s2], $0xC40, $0x38;
	[tilespmem:$0x6080] =	vst v63  }
0x20: {  	_ =	swait.ge [sflag:s13], $0xC40  }
0x21: {  	[sflag:s13] =	ssyncset.done $0x0  }
0x22: {  	s1 =	simm.s32 $0x20;
	[sflag:s13] =	ssyncadd.s32 $0xFFFFF3C0  }
0x23: {  	v0 =	vld [tilespmem:s1+$0x10]  }
0x24: {  	v3 =	vld [tilespmem:s1+$0xFFFFFFE0]  }
0x25: {  	v1 =	vld [tilespmem:s1+$0xFFFFFFF0]  }
0x26: {  	s21 =	simm.s32 $0x2EA0;
	v2 =	vld [tilespmem:s1+$0x0]  }
0x27: {  	s22 =	simm.s32 $0x15A0;
	v5 =	vld [tilespmem:s21+$0x10]  }
0x28: {  	s23 =	simm.s32 $0x2220;
	v7 =	vld [tilespmem:s22+$0x10]  }
0x29: {  	v9 =	vld [tilespmem:s23+$0x10]  }
0x2a: {  	v38 =	vld [tilespmem:s22+$0xFFFFFFE0];
	v4 =	vadd.s32 $0x600, v0  }
0x2b: {  	v6 =	vadd.s32 $0x100, v0;
	v11 =	vld.idx.msk [tilespmem:v0+s12+$0x0], $0xffff  }
0x2c: {  	v8 =	vadd.s32 $0x200, v0;
	v33 =	vld.idx.msk [tilespmem:v3+s12+$0x0], $0xffff  }
0x2d: {  	v10 =	vadd.s32 $0x300, v0;
	v34 =	vld.idx.msk [tilespmem:v1+s12+$0x0], $0xffff  }
0x2e: {  	v12 =	vadd.s32 $0x400, v0;
	v35 =	vld.idx.msk [tilespmem:v2+s12+$0x0], $0xffff  }
0x2f: {  	v13 =	vadd.s32 $0x500, v0;
	v4 =	vld.idx.msk [tilespmem:v4+s12+$0x0], $0xffff  }
0x30: {  	v14 =	vadd.s32 $0x700, v0;
	v6 =	vld.idx.msk [tilespmem:v6+s12+$0x0], $0xffff  }
0x31: {  	v15 =	vadd.s32 $0x100, v3;
	v8 =	vld.idx.msk [tilespmem:v8+s12+$0x0], $0xffff  }
0x32: {  	v16 =	vadd.s32 $0x200, v3;
	v10 =	vld.idx.msk [tilespmem:v10+s12+$0x0], $0xffff  }
0x33: {  	v17 =	vadd.s32 $0x300, v3;
	v12 =	vld.idx.msk [tilespmem:v12+s12+$0x0], $0xffff  }
0x34: {  	v18 =	vadd.s32 $0x400, v3;
	v13 =	vld.idx.msk [tilespmem:v13+s12+$0x0], $0xffff  }
0x35: {  	v19 =	vadd.s32 $0x500, v3;
	v14 =	vld.idx.msk [tilespmem:v14+s12+$0x0], $0xffff  }
0x36: {  	v20 =	vadd.s32 $0x100, v1;
	v15 =	vld.idx.msk [tilespmem:v15+s12+$0x0], $0xffff  }
0x37: {  	v21 =	vadd.s32 $0x200, v1;
	v16 =	vld.idx.msk [tilespmem:v16+s12+$0x0], $0xffff  }
0x38: {  	v22 =	vadd.s32 $0x300, v1;
	v17 =	vld.idx.msk [tilespmem:v17+s12+$0x0], $0xffff  }
0x39: {  	v23 =	vadd.s32 $0x400, v1;
	v18 =	vld.idx.msk [tilespmem:v18+s12+$0x0], $0xffff  }
0x3a: {  	v24 =	vadd.s32 $0x500, v1;
	v19 =	vld.idx.msk [tilespmem:v19+s12+$0x0], $0xffff  }
0x3b: {  	v25 =	vadd.s32 $0x100, v2;
	v20 =	vld.idx.msk [tilespmem:v20+s12+$0x0], $0xffff  }
0x3c: {  	v26 =	vadd.s32 $0x200, v2;
	v21 =	vld.idx.msk [tilespmem:v21+s12+$0x0], $0xffff  }
0x3d: {  	v27 =	vadd.s32 $0x300, v2;
	v28 =	vld.idx.msk [tilespmem:v22+s12+$0x0], $0xffff  }
0x3e: {  	v29 =	vadd.s32 $0x500, v2;
	v23 =	vld.idx.msk [tilespmem:v23+s12+$0x0], $0xffff  }
0x3f: {  	v0 =	vadd.s32 $0x800, v0;
	v30 =	vld.idx.msk [tilespmem:v24+s12+$0x0], $0xffff  }
0x40: {  	v22 =	vadd.s32 $0x400, v2;
	v31 =	vld.idx.msk [tilespmem:v25+s12+$0x0], $0xffff  }
0x41: {  	v26 =	vld.idx.msk [tilespmem:v26+s12+$0x0], $0xffff  }
0x42: {  	v27 =	vld.idx.msk [tilespmem:v27+s12+$0x0], $0xffff;
	v24 =	vadd.s32 $0x700, v3  }
0x43: {  	v29 =	vld.idx.msk [tilespmem:v29+s12+$0x0], $0xffff  }
0x44: {  	v36 =	vadd.s32 $0x600, v1;
	v0 =	vld.idx.msk [tilespmem:v0+s12+$0x0], $0xffff  }
0x45: {  	v37 =	vadd.s32 $0x700, v1;
	v11 =	vmul.f32 v11, v7;
	v32 =	vld.idx.msk [tilespmem:v22+s12+$0x0], $0xffff;
	v10 =	vmul.f32 v10, v9  }
0x46: {  	v39 =	vadd.s32 $0x600, v2;
	v6 =	vmul.f32 v6, v7;
	v7 =	vmul.f32 v8, v7;
	v8 =	vld [tilespmem:s22+$0xFFFFFFF0]  }
0x47: {  	v22 =	vadd.s32 $0x600, v3;
	v3 =	vadd.s32 $0x800, v3;
	v12 =	vmul.f32 v12, v9;
	v24 =	vld.idx.msk [tilespmem:v24+s12+$0x0], $0xffff  }
0x48: {  	v40 =	vadd.s32 $0x700, v2;
	v9 =	vmul.f32 v13, v9;
	v10 =	vadd.f32 v10, v11;
	v11 =	vld [tilespmem:s23+$0xFFFFFFE0]  }
0x49: {  	v4 =	vmul.f32 v4, v5;
	v13 =	vmul.f32 v14, v5;
	v6 =	vadd.f32 v12, v6;
	v12 =	vld [tilespmem:s23+$0xFFFFFFF0]  }
0x4a: {  	v0 =	vmul.f32 v0, v5;
	v5 =	vadd.f32 v9, v7;
	v7 =	vmul.f32 v15, v38;
	v15 =	vld [tilespmem:s23+$0x0]  }
0x4b: {  	v41 =	vadd.s32 $0x800, v2;
	v14 =	vmul.f32 v16, v38;
	v4 =	vadd.f32 v4, v10;
	v10 =	vld [tilespmem:s22+$0x0]  }
0x4c: {  	v6 =	vadd.f32 v13, v6;
	v13 =	vmul.f32 v20, v8;
	v25 =	vld.idx.msk [tilespmem:v3+s12+$0x0], $0xffff;
	v3 =	vmul.f32 v21, v8  }
0x4d: {  	s24 =	simm.s32 $0x3B20;
	v1 =	vadd.s32 $0x800, v1;
	v22 =	vld.idx.msk [tilespmem:v22+s12+$0x0], $0xffff;
	v8 =	vmul.f32 v34, v8;
	v9 =	vmul.f32 v18, v11  }
0x4e: {  	[tilespmem:s24+$0x10] =	vst v4;
	v16 =	vmul.f32 v17, v11;
	v2 =	vmul.f32 v19, v11;
	v19 =	vadd.f32 v0, v5  }
0x4f: {  	v20 =	vmul.f32 v28, v12;
	v0 =	vmul.f32 v23, v12;
	v11 =	vld.idx.msk [tilespmem:v37+s12+$0x0], $0xffff;
	v4 =	vadd.f32 v9, v7  }
0x50: {  	v17 =	vld.idx.msk [tilespmem:v39+s12+$0x0], $0xffff;
	v7 =	vmul.f32 v30, v12;
	v5 =	vadd.f32 v2, v14;
	v2 =	vmul.f32 v31, v10  }
0x51: {  	v18 =	vld.idx.msk [tilespmem:v40+s12+$0x0], $0xffff;
	v0 =	vadd.f32 v0, v13;
	v14 =	vmul.f32 v32, v15;
	v21 =	vmul.f32 v26, v10  }
0x52: {  	v13 =	vld.idx.msk [tilespmem:v1+s12+$0x0], $0xffff;
	v1 =	vadd.f32 v7, v3;
	v3 =	vmul.f32 v33, v38;
	v7 =	vmul.f32 v29, v15  }
0x53: {  	s28 =	simm.s32 $0x47A0;
	v9 =	vld.idx.msk [tilespmem:v36+s12+$0x0], $0xffff;
	v12 =	vmul.f32 v27, v15;
	v15 =	vmul.f32 v35, v10;
	v2 =	vadd.f32 v14, v2  }
0x54: {  	s29 =	simm.s32 $0x5420;
	s30 =	simm.s32 $0x0;
	s31 =	simm.s32 $0x60;
	[tilespmem:s28+$0x10] =	vst v6;
	v10 =	vld.idx.msk [tilespmem:v41+s12+$0x0], $0xffff;
	v23 =	vadd.f32 v16, v3;
	v3 =	vadd.f32 v7, v21  }
0x55: {  	s25 =	simm.s32 $0x47A0;
	s26 =	simm.s32 $0x5420;
	s1 =	simm.s32 $0x3B20;
	[tilespmem:s29+$0x10] =	vst v19;
	v14 =	vld [tilespmem:s21+$0xFFFFFFE0];
	v21 =	vadd.f32 v20, v8;
	v6 =	vadd.f32 v12, v15  }
.LBB2_2:
0x56: {  	v15 =	vld [tilespmem:s31+$0x10]  }
0x57: {  	v8 =	vld [tilespmem:s31+$0xFFFFFFF0]  }
0x58: {  	v7 =	vld [tilespmem:s31+$0x0]  }
0x59: {  	v12 =	vld [tilespmem:s31+$0xFFFFFFE0]  }
0x5a: {  	v22 =	vmul.f32 v22, v14;
	v24 =	vmul.f32 v24, v14;
	v26 =	vld [tilespmem:s21+$0xFFFFFFF0]  }
0x5b: {  	s30 =	sadd.s32 $0x4, s30;
	v25 =	vmul.f32 v25, v14;
	v16 =	vadd.s32 $0x600, v15;
	v27 =	vld [tilespmem:s21+$0x0];
	s21 =	sadd.s32 $0x40, s21  }
0x5c: {  	s22 =	sadd.s32 $0x40, s22;
	p0 =	slt.u32 s30, $0xC0;
	v14 =	vadd.s32 $0x100, v15;
	v28 =	vadd.s32 $0x100, v8;
	v29 =	vadd.s32 $0x200, v8;
	v30 =	vld [tilespmem:s21+$0x10]  }
0x5d: {  	s23 =	sadd.s32 $0x40, s23;
	v19 =	vadd.s32 $0x200, v15;
	v31 =	vadd.s32 $0x300, v8;
	v32 =	vadd.s32 $0x400, v8;
	v33 =	vld [tilespmem:s22+$0x10]  }
0x5e: {  	v20 =	vadd.s32 $0x300, v15;
	v34 =	vadd.s32 $0x100, v12;
	v35 =	vadd.s32 $0x200, v12;
	v36 =	vld [tilespmem:s23+$0x10]  }
0x5f: {  	v40 =	vadd.s32 $0x400, v15;
	v37 =	vadd.s32 $0x300, v12;
	v38 =	vadd.s32 $0x400, v12;
	v39 =	vld.idx.msk [tilespmem:v15+s12+$0x0], $0xffff  }
0x60: {  	v43 =	vadd.s32 $0x500, v15;
	v42 =	vadd.s32 $0x500, v8;
	v41 =	vadd.s32 $0x500, v12;
	v44 =	vld.idx.msk [tilespmem:v16+s12+$0x0], $0xffff  }
0x61: {  	v48 =	vadd.s32 $0x700, v15;
	v45 =	vadd.s32 $0x100, v7;
	v46 =	vadd.s32 $0x200, v7;
	v47 =	vld.idx.msk [tilespmem:v14+s12+$0x0], $0xffff  }
0x62: {  	v52 =	vadd.s32 $0x800, v15;
	v49 =	vadd.s32 $0x300, v7;
	v50 =	vadd.s32 $0x400, v7;
	v51 =	vld.idx.msk [tilespmem:v19+s12+$0x0], $0xffff  }
0x63: {  	v55 =	vadd.s32 $0x500, v7;
	v53 =	vadd.s32 $0x600, v12;
	v54 =	vadd.s32 $0x700, v12;
	v56 =	vld.idx.msk [tilespmem:v20+s12+$0x0], $0xffff  }
0x64: {  	v58 =	vadd.s32 $0x600, v8;
	v57 =	vadd.s32 $0x800, v12;
	v20 =	vadd.s32 $0x700, v8;
	v40 =	vld.idx.msk [tilespmem:v40+s12+$0x0], $0xffff  }
0x65: {  	v15 =	vadd.s32 $0x700, v7;
	v16 =	vadd.s32 $0x600, v7;
	v19 =	vadd.s32 $0x800, v8;
	v43 =	vld.idx.msk [tilespmem:v43+s12+$0x0], $0xffff  }
0x66: {  	v9 =	vmul.f32 v9, v26;
	v11 =	vmul.f32 v11, v26;
	v14 =	vadd.s32 $0x800, v7;
	v48 =	vld.idx.msk [tilespmem:v48+s12+$0x0], $0xffff  }
0x67: {  	v22 =	vadd.f32 v22, v23;
	v13 =	vmul.f32 v13, v26;
	v17 =	vmul.f32 v17, v27;
	v52 =	vld.idx.msk [tilespmem:v52+s12+$0x0], $0xffff  }
0x68: {  	v4 =	vadd.f32 v24, v4;
	v18 =	vmul.f32 v18, v27;
	v26 =	vmul.f32 v39, v33;
	v23 =	vld.idx.msk [tilespmem:v34+s12+$0x0], $0xffff  }
0x69: {  	v5 =	vadd.f32 v25, v5;
	v34 =	vmul.f32 v56, v36;
	v24 =	vld.idx.msk [tilespmem:v35+s12+$0x0], $0xffff;
	v35 =	vmul.f32 v44, v30  }
0x6a: {  	v9 =	vadd.f32 v9, v21;
	v39 =	vmul.f32 v40, v36;
	v25 =	vld.idx.msk [tilespmem:v37+s12+$0x0], $0xffff;
	v37 =	vmul.f32 v47, v33  }
0x6b: {  	v26 =	vadd.f32 v34, v26;
	v33 =	vmul.f32 v51, v33;
	v34 =	vmul.f32 v43, v36;
	v21 =	vld.idx.msk [tilespmem:v38+s12+$0x0], $0xffff  }
0x6c: {  	v10 =	vmul.f32 v10, v27;
	v38 =	vmul.f32 v48, v30;
	v36 =	vld.idx.msk [tilespmem:v41+s12+$0x0], $0xffff;
	v37 =	vadd.f32 v39, v37  }
0x6d: {  	v26 =	vadd.f32 v35, v26;
	v30 =	vmul.f32 v52, v30;
	v27 =	vld.idx.msk [tilespmem:v28+s12+$0x0], $0xffff;
	v28 =	vadd.f32 v34, v33  }
0x6e: {  	s1 =	sadd.s32 $0x40, s1;
	v0 =	vadd.f32 v11, v0;
	v29 =	vld.idx.msk [tilespmem:v29+s12+$0x0], $0xffff;
	v33 =	vadd.f32 v38, v37;
	[tilespmem:s24+$0xFFFFFFE0] =	vst v22  }
0x6f: {  	s28 =	sadd.s32 $0x40, s28;
	v1 =	vadd.f32 v13, v1;
	v11 =	vld.idx.msk [tilespmem:v31+s12+$0x0], $0xffff;
	[tilespmem:s1+$0x10] =	vst v26;
	v22 =	vadd.f32 v30, v28  }
0x70: {  	s29 =	sadd.s32 $0x40, s29;
	v6 =	vadd.f32 v17, v6;
	v2 =	vadd.f32 v18, v2;
	v13 =	vld.idx.msk [tilespmem:v32+s12+$0x0], $0xffff;
	[tilespmem:s28+$0x10] =	vst v33  }
0x71: {  	v3 =	vadd.f32 v10, v3;
	v17 =	vld.idx.msk [tilespmem:v42+s12+$0x0], $0xffff;
	[tilespmem:s29+$0x10] =	vst v22  }
0x72: {  	v10 =	vld.idx.msk [tilespmem:v45+s12+$0x0], $0xffff;
	[tilespmem:s25+$0xFFFFFFE0] =	vst v4  }
0x73: {  	v18 =	vld.idx.msk [tilespmem:v46+s12+$0x0], $0xffff;
	[tilespmem:s26+$0xFFFFFFE0] =	vst v5  }
0x74: {  	v26 =	vld.idx.msk [tilespmem:v49+s12+$0x0], $0xffff;
	[tilespmem:s24+$0xFFFFFFF0] =	vst v9  }
0x75: {  	v28 =	vld.idx.msk [tilespmem:v50+s12+$0x0], $0xffff;
	[tilespmem:s25+$0xFFFFFFF0] =	vst v0  }
0x76: {  	v30 =	vld.idx.msk [tilespmem:v55+s12+$0x0], $0xffff;
	[tilespmem:s26+$0xFFFFFFF0] =	vst v1  }
0x77: {  	v12 =	vld.idx.msk [tilespmem:v12+s12+$0x0], $0xffff;
	[tilespmem:s24+$0x0] =	vst v6;
	s24 =	smov.u32 s1  }
0x78: {  	v6 =	vld.idx.msk [tilespmem:v8+s12+$0x0], $0xffff;
	[tilespmem:s25+$0x0] =	vst v2;
	s25 =	smov.u32 s28  }
0x79: {  	v2 =	vld.idx.msk [tilespmem:v7+s12+$0x0], $0xffff;
	[tilespmem:s26+$0x0] =	vst v3;
	s26 =	smov.u32 s29  }
0x7a: {  	v3 =	vld [tilespmem:s22+$0xFFFFFFE0]  }
0x7b: {  	v0 =	vld [tilespmem:s23+$0xFFFFFFE0]  }
0x7c: {  	v7 =	vld [tilespmem:s22+$0xFFFFFFF0]  }
0x7d: {  	v1 =	vld [tilespmem:s23+$0xFFFFFFF0]  }
0x7e: {  	v8 =	vld [tilespmem:s22+$0x0]  }
0x7f: {  	v4 =	vmul.f32 v23, v3;
	v5 =	vmul.f32 v24, v3;
	v23 =	vld [tilespmem:s23+$0x0]  }
0x80: {  	v22 =	vld.idx.msk [tilespmem:v53+s12+$0x0], $0xffff;
	v31 =	vmul.f32 v25, v0;
	v9 =	vmul.f32 v21, v0  }
0x81: {  	v0 =	vmul.f32 v36, v0;
	v24 =	vld.idx.msk [tilespmem:v54+s12+$0x0], $0xffff;
	v21 =	vmul.f32 v27, v7  }
0x82: {  	v25 =	vld.idx.msk [tilespmem:v57+s12+$0x0], $0xffff;
	v4 =	vadd.f32 v9, v4;
	v27 =	vmul.f32 v11, v1;
	v13 =	vmul.f32 v13, v1  }
0x83: {  	v29 =	vmul.f32 v29, v7;
	v5 =	vadd.f32 v0, v5;
	v1 =	vmul.f32 v17, v1;
	v9 =	vld.idx.msk [tilespmem:v58+s12+$0x0], $0xffff  }
0x84: {  	v10 =	vmul.f32 v10, v8;
	v11 =	vld.idx.msk [tilespmem:v20+s12+$0x0], $0xffff;
	v0 =	vadd.f32 v13, v21;
	v20 =	vmul.f32 v26, v23  }
.Ltmp0:
0x85: {  	v1 =	vadd.f32 v1, v29;
	v21 =	vmul.f32 v18, v8;
	v13 =	vld.idx.msk [tilespmem:v19+s12+$0x0], $0xffff;
	v19 =	vmul.f32 v28, v23;
	(pc) =	sbr.rel @p0 .LBB2_2-.Ltmp0, $4  }
0x86: {  	v3 =	vmul.f32 v12, v3;
	v12 =	vmul.f32 v30, v23;
	v17 =	vld.idx.msk [tilespmem:v16+s12+$0x0], $0xffff  }
0x87: {  	v6 =	vmul.f32 v6, v7;
	v7 =	vmul.f32 v2, v8;
	v18 =	vld.idx.msk [tilespmem:v15+s12+$0x0], $0xffff;
	v2 =	vadd.f32 v19, v10  }
0x88: {  	v23 =	vadd.f32 v31, v3;
	v3 =	vadd.f32 v12, v21;
	v10 =	vld.idx.msk [tilespmem:v14+s12+$0x0], $0xffff  }
0x89: {  	s31 =	sadd.s32 $0x40, s31;
	v21 =	vadd.f32 v27, v6;
	v6 =	vadd.f32 v20, v7;
	v14 =	vld [tilespmem:s21+$0xFFFFFFE0]  }
0x8a: {  	_ = 	snop  }
0x8b: {  	v7 =	vld [tilespmem:s21+$0xFFFFFFF0];
	_ =	sdelay $0x2  }
0x8c: {  	v8 =	vmul.f32 v22, v14  }
0x8d: {  	v15 =	vld [tilespmem:s21+$0x0];
	v12 =	vmul.f32 v24, v14  }
0x8e: {  	v9 =	vmul.f32 v9, v7;
	v8 =	vadd.f32 v8, v23  }
0x8f: {  	v57 =	vmul.f32 v25, v14;
	v4 =	vadd.f32 v12, v4  }
0x90: {  	v11 =	vmul.f32 v11, v7;
	v58 =	vadd.f32 v9, v21;
	[tilespmem:s24+$0xFFFFFFE0] =	vst v8  }
0x91: {  	v7 =	vmul.f32 v13, v7;
	v5 =	vadd.f32 v57, v5;
	[tilespmem:s25+$0xFFFFFFE0] =	vst v4  }
0x92: {  	v59 =	vmul.f32 v17, v15;
	v0 =	vadd.f32 v11, v0;
	[tilespmem:s24+$0xFFFFFFF0] =	vst v58  }
0x93: {  	v60 =	vmul.f32 v18, v15;
	v1 =	vadd.f32 v7, v1;
	[tilespmem:s26+$0xFFFFFFE0] =	vst v5  }
0x94: {  	v61 =	vmul.f32 v10, v15;
	v4 =	vadd.f32 v59, v6;
	[tilespmem:s25+$0xFFFFFFF0] =	vst v0  }
0x95: {  	v62 =	vadd.f32 v60, v2;
	[tilespmem:s26+$0xFFFFFFF0] =	vst v1  }
0x96: {  	v63 =	vadd.f32 v61, v3;
	[tilespmem:s24+$0x0] =	vst v4  }
0x97: {  	[tilespmem:s25+$0x0] =	vst v62  }
0x98: {  	[tilespmem:s26+$0x0] =	vst v63  }
0x99: {  	[hbm4b:s8+s2] =	stream.linear.scatter [tilespmem:s17], [sflag:$0x1], $0xC40, $0x38;
	[tilespmem:$0x6080] =	vst v63  }
0x9a: {  	_ =	swait.ge [sflag:s13], $0xC40  }
0x9b: {  	[sflag:s13] =	ssyncset.done $0x0  }
0x9c: {  	[sflag:s13] =	ssyncadd.s32 $0xFFFFF3C0  }
0x9d: {  	[hbm4b:s9+s2] =	stream.linear.scatter [tilespmem:s18], [sflag:$0x1], $0xC40, $0x38;
	[tilespmem:$0x6080] =	vst v63  }
0x9e: {  	s20 =	sadd.s32 $0x1, s20;
	_ =	swait.ge [sflag:s13], $0xC40  }
0x9f: {  	p0 =	sne.s32 s20, s11;
	[sflag:s13] =	ssyncset.done $0x0  }
.Ltmp1:
0xa0: {  	[sflag:s13] =	ssyncadd.s32 $0xFFFFF3C0;
	(pc) =	sbr.rel @p0 .LBB2_1-.Ltmp1, $4  }
0xa1: {  	[hbm4b:s10+s2] =	stream.linear.scatter [tilespmem:s19], [sflag:$0x1], $0xC40, $0x38;
	[tilespmem:$0x6080] =	vst v63  }
0xa2: {  	_ =	swait.ge [sflag:s13], $0xC40  }
0xa3: {  	[sflag:s13] =	ssyncset.done $0x0  }
0xa4: {  	[sflag:s13] =	ssyncadd.s32 $0xFFFFF3C0  }
0xa5: {  	_ =	sfence.sel $0x180000  }
0xa6: {  	[bflag:$0x0] =	sbarrier.arrive $0xFFFF  }
0xa7: {  	_ =	strace $0x90000047  }
0xa8: {  	[bflag:$0x2] =	sbarrier.arrive $0xFFFF  }
0xa9: {  	p0 =	sne.s32 s0, $0x0;
	s0 =	rddreg [dreg:$0x3]  }
0xaa: {  	s0 =	sadd.s32 @!p0 $0x100000, s0  }
0xab: {  	[sflag:s0] =	ssyncadd.tile.s32 @!p0 $0x1;
	_ =	shalt  }
.Lfunc_end2:
_tile_overlayer_lowered:
.L_overlay_start_2:
0xac: {  	(tag) =	ssettag $0x2  }
0xad: {  	s0 =	rddreg [dreg:$0x0];
	s2 =	stileid.u32  }
0xae: {  	s1 =	rddreg [dreg:$0x1];
	p0 =	sne.s32 s2, $0x0  }
0xaf: {  	s3 =	rddreg [dreg:$0x2];
	[bflag:$0x3] =	sbarrier.arrive $0xFFFF;
	s2 =	simm.s32 @!p0 $0x1C01  }
0xb0: {  	[timem:s3], [sflag:s2] =	dma.local @!p0 [hbm:s0], s1  }
0xb1: {  	s0 =	simm.s32 @!p0 $0x1  }
0xb2: {  	_ =	swait.ge @!p0 [sflag:s0], s1  }
0xb3: {  	s1 =	ssub.s32 @!p0 $0x0, s1;
	[sflag:s0] =	ssyncset.done @!p0 $0x0  }
0xb4: {  	[sflag:s0] =	ssyncadd.s32 @!p0 s1  }
0xb5: {  	[bflag:$0x3] =	sbarrier.arrive $0xFFFF  }
0xb6: {  	_ =	shalt  }

</sc_bundles>
